<compile_context>
chip_gen: v7x
topology: tpu7x:2x2x1
jax: 0.10.2.dev20260603
libtpu: 0.0.44.dev20260713+nightly
codegen_flags: <defaults>
</compile_context>

<pallas_src>
import functools

import jax
import jax.numpy as jnp
import numpy as np
from jax import lax
from jax.experimental import pallas as pl
from jax.experimental.pallas import tpu as pltpu
from jax.experimental.pallas import tpu_sc as plsc

NUM_CLASSES = 4096
MIX_NUM = 2
PATCH = 16
SMOOTH = 0.1
B = 256
OFF = SMOOTH / NUM_CLASSES
ON1 = (1.0 - SMOOTH) / MIX_NUM + OFF
ON2 = ((1.0 - SMOOTH) * np.array([0.5, 1.0, 0.5]) / MIX_NUM + OFF).astype(np.float32)


_SEL_BITS = (
    "1100000001001110010001010111100001001010110000111001100101011010"
    "1010100101111001000010111101010101101001111101000101100110101111"
    "1001111110000101011001110010001011101110101110000000111000010011"
    "0110"
)


def _compute_patch_mask():
    sel = np.array([int(ch) for ch in _SEL_BITS]).reshape(14, 14)
    mask = np.repeat(np.repeat(sel, PATCH, 0), PATCH, 1)
    return mask.astype(np.float32)


_PATCH_MASK = _compute_patch_mask()


ROWS = 16


def _mix_body(xa_ref, xb_ref, mask_ref, o_ref):
    m = mask_ref[...] != 0.0
    o_ref[0 : ROWS - 1] = jnp.where(m, xa_ref[1:ROWS], xa_ref[0 : ROWS - 1])
    o_ref[ROWS - 1 : ROWS] = jnp.where(m, xb_ref[...], xa_ref[ROWS - 1 : ROWS])


RPW = B // 32


def _onehot_sc_body(t_ref, o1_ref, o2_ref, t_v, blk_v):
    cid = lax.axis_index("c")
    sid = lax.axis_index("s")
    wid = sid * 2 + cid
    base = wid * RPW

    rowv = jnp.arange(16, dtype=jnp.int32)
    pltpu.sync_copy(t_ref, t_v.at[pl.ds(8, B)])
    t_v[pl.ds(8 + B, 16)] = t_v[pl.ds(8, 16)]
    plsc.store_scatter(t_v, [rowv], t_v[pl.ds(B, 16)], mask=rowv < 8)

    offv = jnp.full((16,), OFF, jnp.float32)

    def fill_body(i, carry):
        o = i * 256
        for k in range(16):
            blk_v[pl.ds(o + k * 16, 16)] = offv
        return carry

    lax.fori_loop(0, RPW * NUM_CLASSES // 256, fill_body, None)
    lane_ok = rowv < RPW
    t0vec = t_v[pl.ds(base + 8, 16)]
    tmvec = t_v[pl.ds(base, 16)]
    def _lane_gather(vec, idx):
        return lax.gather(
            vec,
            idx[:, None],
            lax.GatherDimensionNumbers(
                offset_dims=(), collapsed_slice_dims=(0,), start_index_map=(0,)
            ),
            slice_sizes=(1,),
            mode=lax.GatherScatterMode.PROMISE_IN_BOUNDS,
        )

    tm1 = _lane_gather(tmvec, jnp.minimum(rowv + 7, 15))
    tp1 = _lane_gather(t0vec, jnp.minimum(rowv + 1, 15))
    tvec = [tm1, t0vec, tp1]
    flat = [rowv * NUM_CLASSES + tvec[d] for d in range(3)]

    on1v = jnp.full((16,), ON1, jnp.float32)
    plsc.store_scatter(blk_v, [flat[1]], on1v, mask=lane_ok)
    plsc.store_scatter(blk_v, [flat[2]], on1v, mask=lane_ok)
    pltpu.sync_copy(blk_v, o1_ref.at[pl.ds(base * NUM_CLASSES, RPW * NUM_CLASSES)])

    for d in range(3):
        plsc.store_scatter(
            blk_v, [flat[d]], jnp.full((16,), float(ON2[d]), jnp.float32),
            mask=lane_ok,
        )
    pltpu.sync_copy(blk_v, o2_ref.at[pl.ds(base * NUM_CLASSES, RPW * NUM_CLASSES)])


_onehot_sc = functools.partial(
    pl.kernel,
    out_type=[
        jax.ShapeDtypeStruct((B * NUM_CLASSES,), jnp.float32),
        jax.ShapeDtypeStruct((B * NUM_CLASSES,), jnp.float32),
    ],
    mesh=plsc.VectorSubcoreMesh(core_axis_name="c", subcore_axis_name="s"),
    compiler_params=pltpu.CompilerParams(needs_layout_passes=False),
    scratch_types=[
        pltpu.VMEM((8 + B + 16,), jnp.int32),
        pltpu.VMEM((RPW * NUM_CLASSES,), jnp.float32),
    ],
)(_onehot_sc_body)


def kernel(x, target):
    b, c, h, w = x.shape
    n = c * h * w
    sub, lane = n // 128, 128
    xf = x.reshape(b, sub, lane)
    mask = jnp.asarray(
        np.tile(_PATCH_MASK.reshape(-1), c).reshape(1, sub, lane)
    )

    x_out = pl.pallas_call(
        _mix_body,
        grid=(b // ROWS,),
        in_specs=[
            pl.BlockSpec((ROWS, sub, lane), lambda t: (t, 0, 0)),
            pl.BlockSpec((1, sub, lane), lambda t: (((t + 1) * ROWS) % b, 0, 0)),
            pl.BlockSpec((1, sub, lane), lambda t: (0, 0, 0)),
        ],
        out_specs=pl.BlockSpec((ROWS, sub, lane), lambda t: (t, 0, 0)),
        out_shape=jax.ShapeDtypeStruct((b, sub, lane), x.dtype),
        compiler_params=pltpu.CompilerParams(vmem_limit_bytes=128 * 1024 * 1024),
    )(xf, xf, mask).reshape(b, c, h, w)

    m2o_flat, m2m_flat = _onehot_sc(target.astype(jnp.int32))
    m2o_target = m2o_flat.reshape(b, NUM_CLASSES)
    m2m_target = m2m_flat.reshape(b, NUM_CLASSES)

    return (x_out, m2o_target, m2m_target)

# --- scband reference (transcript-rebuilt; emitter-appended) ---
"""Pipeline reference for scband-patch-mix-48180943127340 (READ-ONLY COPY).

The authoritative reference and input builder live on the scoring server;
editing this copy changes nothing except your own understanding.
"""

import jax, jax.numpy as jnp
import numpy as np

NUM_CLASSES = 4096
MIX_NUM = 2
PATCH = 16
SMOOTH = 0.1


def setup_inputs(seed: int = 0) -> dict:
    key = jax.random.key(seed)
    k1, k2 = jax.random.split(key)
    x = jax.random.normal(k1, (256, 3, 224, 224), dtype=jnp.float32)
    target = jax.random.randint(k2, (256,), 0, NUM_CLASSES, dtype=jnp.int32)
    return {"x": x, "target": target}


def _one_hot(t, nc, on, off):
    n = t.shape[0]
    out = jnp.full((n, nc), off, dtype=jnp.float32)
    rows = jnp.arange(n)[:, None]
    on_b = jnp.broadcast_to(jnp.asarray(on, jnp.float32), t.shape)
    return out.at[rows, t].set(on_b)


def reference(x, target):
    b, c, h, w = x.shape
    m = MIX_NUM
    p = PATCH
    n_h, n_w = h // p, w // p
    l = n_h * n_w
    cpp = c * p * p
    # patchify: [b, c, h, w] -> [b, l, c*p*p]
    xp = x.reshape(b, c, n_h, p, n_w, p).transpose(0, 2, 4, 1, 3, 5).reshape(b, l, cpp)
    # shuffle patches (same permutation across batch, matching torch module which
    # repeats a single numpy permutation over the batch dim)
    perm = jax.random.permutation(jax.random.key(42), l)
    backward = jnp.argsort(perm)
    xp = xp[:, perm, :]
    # mix
    s = l // m
    d = b * m
    l_ = s * m
    mix_x = xp[:, :l_, :].reshape(d, s, cpp)
    ids = jnp.arange(d)
    mix_idx = (ids + (ids % m) * m) % d
    mix_x = mix_x[mix_idx].reshape(b, l_, cpp)
    xp = xp.at[:, :l_, :].set(mix_x)
    idb = jnp.arange(b)[:, None]
    m2o_idx = (idb + jnp.arange(m)) % b
    m2m_idx = (idb - m + 1 + jnp.arange(2 * m - 1) + b) % b
    # unshuffle
    xp = xp[:, backward, :]
    x_out = xp.reshape(b, n_h, n_w, c, p, p).transpose(0, 3, 1, 4, 2, 5).reshape(b, c, h, w)
    # targets
    m2o_t = target[m2o_idx]
    m2m_t = target[m2m_idx]
    off = SMOOTH / NUM_CLASSES
    on1 = (1.0 - SMOOTH) / m2o_t.shape[1] + off
    m2o_target = _one_hot(m2o_t, NUM_CLASSES, on1, off)
    ids2 = jnp.arange(m2m_t.shape[1])
    weights = 1.0 - jnp.abs(m - ids2 - 1) / m
    on2 = (1.0 - SMOOTH) * weights / m + off
    m2m_target = _one_hot(m2m_t, NUM_CLASSES, jnp.broadcast_to(on2, m2m_t.shape), off)
    return (x_out, m2o_target, m2m_target)

if __name__ == "__main__":
    import jax
    _d = setup_inputs()
    print(jax.jit(kernel)(*tuple(_d.values())))

</pallas_src>

<mosaic_0001>
#map = affine_map<(d0, d1) -> (0)>
module attributes {stable_mosaic.version = 14 : i64} {
  func.func @_onehot_sc_body(%arg0: i32, %arg1: i32, %arg2: memref<256xi32, #tpu.memory_space<hbm>>, %arg3: memref<1048576xf32, #tpu.memory_space<hbm>>, %arg4: memref<1048576xf32, #tpu.memory_space<hbm>>, %arg5: memref<280xi32, #tpu.memory_space<vmem>>, %arg6: memref<32768xf32, #tpu.memory_space<vmem>>) attributes {dimension_semantics = [#tpu.dimension_semantics<core_parallel>, #tpu.dimension_semantics<subcore_parallel>], iteration_bounds = array<i64: 2, 16>, scalar_prefetch = 0 : i64, scratch_operands = 2 : i64, tpu.core_type = #tpu.core_type<sc_vector_subcore>, window_params = [{transform_indices = #map}, {transform_indices = #map}, {transform_indices = #map}]} {
    %mul3A = arith.constant 2 : i32
    %mul3A_0 = arith.muli %arg1, %mul3A : i32
    %add3A = arith.addi %mul3A_0, %arg0 : i32
    %mul3A_1 = arith.constant 8 : i32
    %mul3A_2 = arith.muli %add3A, %mul3A_1 : i32
    %iota3A = tpu.iota {dimensions = array<i32: 0>} : vector<16xi32>
    "tpu.region"() ({
      %run_scoped3A = tpu.sem_alloc : memref<!tpu.dma_semaphore, #tpu.memory_space<semaphore_mem>>
      %dma_start3A = arith.constant 8 : i32
      %dma_start3A_63 = tpu.memref_slice %arg5[%dma_start3A] : memref<280xi32, #tpu.memory_space<vmem>> -> memref<256xi32, #tpu.memory_space<vmem>>
      %dma_start3A_64 = arith.constant 8 : i32
      %dma_start3A_65 = tpu.memref_slice %arg5[%dma_start3A_64] : memref<280xi32, #tpu.memory_space<vmem>> -> memref<256xi32, #tpu.memory_space<vmem>>
      tpu.enqueue_dma source(%arg2 : memref<256xi32, #tpu.memory_space<hbm>>) target(%dma_start3A_65 : memref<256xi32, #tpu.memory_space<vmem>>) target_semaphore(%run_scoped3A : memref<!tpu.dma_semaphore, #tpu.memory_space<semaphore_mem>>)
      %dma_wait3A = arith.constant 8 : i32
      %dma_wait3A_66 = tpu.memref_slice %arg5[%dma_wait3A] : memref<280xi32, #tpu.memory_space<vmem>> -> memref<256xi32, #tpu.memory_space<vmem>>
      %dma_wait3A_67 = arith.constant 8 : i32
      %dma_wait3A_68 = tpu.memref_slice %arg5[%dma_wait3A_67] : memref<280xi32, #tpu.memory_space<vmem>> -> memref<256xi32, #tpu.memory_space<vmem>>
      tpu.wait_dma2 semaphore(%run_scoped3A : memref<!tpu.dma_semaphore, #tpu.memory_space<semaphore_mem>>) src(%arg2 : memref<256xi32, #tpu.memory_space<hbm>>) dst(%dma_wait3A_68 : memref<256xi32, #tpu.memory_space<vmem>>)
      tpu.yield
    }) : () -> ()
    %get3A = arith.constant 8 : index
    %get3A_3 = tpu.vector_load %arg5[%get3A] {strides = array<i32>} : memref<280xi32, #tpu.memory_space<vmem>>, vector<16xi32>,
    %swap3A = arith.constant 264 : index
    %swap3A_4 = tpu.vector_load %arg5[%swap3A] {strides = array<i32>} : memref<280xi32, #tpu.memory_space<vmem>>, vector<16xi32>,
    tpu.vector_store %arg5[%swap3A], %get3A_3 {strides = array<i32>} : memref<280xi32, #tpu.memory_space<vmem>>, vector<16xi32>,
    %get3A_5 = arith.constant 256 : index
    %get3A_6 = tpu.vector_load %arg5[%get3A_5] {strides = array<i32>} : memref<280xi32, #tpu.memory_space<vmem>>, vector<16xi32>,
    %lt3A = arith.constant 8 : i32
    %lt3A_7 = vector.broadcast %lt3A : i32 to vector<16xi32>
    %lt3A_8 = arith.cmpi slt, %iota3A, %lt3A_7 : vector<16xi32>
    tpu.vector_store_idx %arg5[%iota3A], %get3A_6 masked %lt3A_8 : memref<280xi32, #tpu.memory_space<vmem>>[vector<16xi32>], vector<16xi32>, vector<16xi1>
    %broadcast_in_dim3A = arith.constant 2.44140629E-5 : f32
    %broadcast_in_dim3A_9 = vector.broadcast %broadcast_in_dim3A : f32 to vector<16xf32>
    %scan3A = arith.constant 0 : i32
    %scan3A_10 = arith.constant 128 : i32
    %scan3A_11 = arith.addi %scan3A, %scan3A_10 : i32
    %scan3A_12 = arith.constant 1 : i32
    scf.for %scan3A_63 = %scan3A to %scan3A_11 step %scan3A_12  : i32 {
      %mul3A_64 = arith.constant 256 : i32
      %mul3A_65 = arith.muli %scan3A_63, %mul3A_64 : i32
      %add3A_66 = arith.constant 0 : i32
      %add3A_67 = arith.addi %mul3A_65, %add3A_66 : i32
      %swap3A_68 = arith.index_cast %add3A_67 : i32 to index
      %swap3A_69 = tpu.vector_load %arg6[%swap3A_68] {strides = array<i32>} : memref<32768xf32, #tpu.memory_space<vmem>>, vector<16xf32>,
      tpu.vector_store %arg6[%swap3A_68], %broadcast_in_dim3A_9 {strides = array<i32>} : memref<32768xf32, #tpu.memory_space<vmem>>, vector<16xf32>,
      %add3A_70 = arith.constant 16 : i32
      %add3A_71 = arith.addi %mul3A_65, %add3A_70 : i32
      %swap3A_72 = arith.index_cast %add3A_71 : i32 to index
      %swap3A_73 = tpu.vector_load %arg6[%swap3A_72] {strides = array<i32>} : memref<32768xf32, #tpu.memory_space<vmem>>, vector<16xf32>,
      tpu.vector_store %arg6[%swap3A_72], %broadcast_in_dim3A_9 {strides = array<i32>} : memref<32768xf32, #tpu.memory_space<vmem>>, vector<16xf32>,
      %add3A_74 = arith.constant 32 : i32
      %add3A_75 = arith.addi %mul3A_65, %add3A_74 : i32
      %swap3A_76 = arith.index_cast %add3A_75 : i32 to index
      %swap3A_77 = tpu.vector_load %arg6[%swap3A_76] {strides = array<i32>} : memref<32768xf32, #tpu.memory_space<vmem>>, vector<16xf32>,
      tpu.vector_store %arg6[%swap3A_76], %broadcast_in_dim3A_9 {strides = array<i32>} : memref<32768xf32, #tpu.memory_space<vmem>>, vector<16xf32>,
      %add3A_78 = arith.constant 48 : i32
      %add3A_79 = arith.addi %mul3A_65, %add3A_78 : i32
      %swap3A_80 = arith.index_cast %add3A_79 : i32 to index
      %swap3A_81 = tpu.vector_load %arg6[%swap3A_80] {strides = array<i32>} : memref<32768xf32, #tpu.memory_space<vmem>>, vector<16xf32>,
      tpu.vector_store %arg6[%swap3A_80], %broadcast_in_dim3A_9 {strides = array<i32>} : memref<32768xf32, #tpu.memory_space<vmem>>, vector<16xf32>,
      %add3A_82 = arith.constant 64 : i32
      %add3A_83 = arith.addi %mul3A_65, %add3A_82 : i32
      %swap3A_84 = arith.index_cast %add3A_83 : i32 to index
      %swap3A_85 = tpu.vector_load %arg6[%swap3A_84] {strides = array<i32>} : memref<32768xf32, #tpu.memory_space<vmem>>, vector<16xf32>,
      tpu.vector_store %arg6[%swap3A_84], %broadcast_in_dim3A_9 {strides = array<i32>} : memref<32768xf32, #tpu.memory_space<vmem>>, vector<16xf32>,
      %add3A_86 = arith.constant 80 : i32
      %add3A_87 = arith.addi %mul3A_65, %add3A_86 : i32
      %swap3A_88 = arith.index_cast %add3A_87 : i32 to index
      %swap3A_89 = tpu.vector_load %arg6[%swap3A_88] {strides = array<i32>} : memref<32768xf32, #tpu.memory_space<vmem>>, vector<16xf32>,
      tpu.vector_store %arg6[%swap3A_88], %broadcast_in_dim3A_9 {strides = array<i32>} : memref<32768xf32, #tpu.memory_space<vmem>>, vector<16xf32>,
      %add3A_90 = arith.constant 96 : i32
      %add3A_91 = arith.addi %mul3A_65, %add3A_90 : i32
      %swap3A_92 = arith.index_cast %add3A_91 : i32 to index
      %swap3A_93 = tpu.vector_load %arg6[%swap3A_92] {strides = array<i32>} : memref<32768xf32, #tpu.memory_space<vmem>>, vector<16xf32>,
      tpu.vector_store %arg6[%swap3A_92], %broadcast_in_dim3A_9 {strides = array<i32>} : memref<32768xf32, #tpu.memory_space<vmem>>, vector<16xf32>,
      %add3A_94 = arith.constant 112 : i32
      %add3A_95 = arith.addi %mul3A_65, %add3A_94 : i32
      %swap3A_96 = arith.index_cast %add3A_95 : i32 to index
      %swap3A_97 = tpu.vector_load %arg6[%swap3A_96] {strides = array<i32>} : memref<32768xf32, #tpu.memory_space<vmem>>, vector<16xf32>,
      tpu.vector_store %arg6[%swap3A_96], %broadcast_in_dim3A_9 {strides = array<i32>} : memref<32768xf32, #tpu.memory_space<vmem>>, vector<16xf32>,
      %add3A_98 = arith.constant 128 : i32
      %add3A_99 = arith.addi %mul3A_65, %add3A_98 : i32
      %swap3A_100 = arith.index_cast %add3A_99 : i32 to index
      %swap3A_101 = tpu.vector_load %arg6[%swap3A_100] {strides = array<i32>} : memref<32768xf32, #tpu.memory_space<vmem>>, vector<16xf32>,
      tpu.vector_store %arg6[%swap3A_100], %broadcast_in_dim3A_9 {strides = array<i32>} : memref<32768xf32, #tpu.memory_space<vmem>>, vector<16xf32>,
      %add3A_102 = arith.constant 144 : i32
      %add3A_103 = arith.addi %mul3A_65, %add3A_102 : i32
      %swap3A_104 = arith.index_cast %add3A_103 : i32 to index
      %swap3A_105 = tpu.vector_load %arg6[%swap3A_104] {strides = array<i32>} : memref<32768xf32, #tpu.memory_space<vmem>>, vector<16xf32>,
      tpu.vector_store %arg6[%swap3A_104], %broadcast_in_dim3A_9 {strides = array<i32>} : memref<32768xf32, #tpu.memory_space<vmem>>, vector<16xf32>,
      %add3A_106 = arith.constant 160 : i32
      %add3A_107 = arith.addi %mul3A_65, %add3A_106 : i32
      %swap3A_108 = arith.index_cast %add3A_107 : i32 to index
      %swap3A_109 = tpu.vector_load %arg6[%swap3A_108] {strides = array<i32>} : memref<32768xf32, #tpu.memory_space<vmem>>, vector<16xf32>,
      tpu.vector_store %arg6[%swap3A_108], %broadcast_in_dim3A_9 {strides = array<i32>} : memref<32768xf32, #tpu.memory_space<vmem>>, vector<16xf32>,
      %add3A_110 = arith.constant 176 : i32
      %add3A_111 = arith.addi %mul3A_65, %add3A_110 : i32
      %swap3A_112 = arith.index_cast %add3A_111 : i32 to index
      %swap3A_113 = tpu.vector_load %arg6[%swap3A_112] {strides = array<i32>} : memref<32768xf32, #tpu.memory_space<vmem>>, vector<16xf32>,
      tpu.vector_store %arg6[%swap3A_112], %broadcast_in_dim3A_9 {strides = array<i32>} : memref<32768xf32, #tpu.memory_space<vmem>>, vector<16xf32>,
      %add3A_114 = arith.constant 192 : i32
      %add3A_115 = arith.addi %mul3A_65, %add3A_114 : i32
      %swap3A_116 = arith.index_cast %add3A_115 : i32 to index
      %swap3A_117 = tpu.vector_load %arg6[%swap3A_116] {strides = array<i32>} : memref<32768xf32, #tpu.memory_space<vmem>>, vector<16xf32>,
      tpu.vector_store %arg6[%swap3A_116], %broadcast_in_dim3A_9 {strides = array<i32>} : memref<32768xf32, #tpu.memory_space<vmem>>, vector<16xf32>,
      %add3A_118 = arith.constant 208 : i32
      %add3A_119 = arith.addi %mul3A_65, %add3A_118 : i32
      %swap3A_120 = arith.index_cast %add3A_119 : i32 to index
      %swap3A_121 = tpu.vector_load %arg6[%swap3A_120] {strides = array<i32>} : memref<32768xf32, #tpu.memory_space<vmem>>, vector<16xf32>,
      tpu.vector_store %arg6[%swap3A_120], %broadcast_in_dim3A_9 {strides = array<i32>} : memref<32768xf32, #tpu.memory_space<vmem>>, vector<16xf32>,
      %add3A_122 = arith.constant 224 : i32
      %add3A_123 = arith.addi %mul3A_65, %add3A_122 : i32
      %swap3A_124 = arith.index_cast %add3A_123 : i32 to index
      %swap3A_125 = tpu.vector_load %arg6[%swap3A_124] {strides = array<i32>} : memref<32768xf32, #tpu.memory_space<vmem>>, vector<16xf32>,
      tpu.vector_store %arg6[%swap3A_124], %broadcast_in_dim3A_9 {strides = array<i32>} : memref<32768xf32, #tpu.memory_space<vmem>>, vector<16xf32>,
      %add3A_126 = arith.constant 240 : i32
      %add3A_127 = arith.addi %mul3A_65, %add3A_126 : i32
      %swap3A_128 = arith.index_cast %add3A_127 : i32 to index
      %swap3A_129 = tpu.vector_load %arg6[%swap3A_128] {strides = array<i32>} : memref<32768xf32, #tpu.memory_space<vmem>>, vector<16xf32>,
      tpu.vector_store %arg6[%swap3A_128], %broadcast_in_dim3A_9 {strides = array<i32>} : memref<32768xf32, #tpu.memory_space<vmem>>, vector<16xf32>,
    }
    %scan3A_13 = arith.constant 128 : i32
    %lt3A_14 = arith.constant 8 : i32
    %lt3A_15 = vector.broadcast %lt3A_14 : i32 to vector<16xi32>
    %lt3A_16 = arith.cmpi slt, %iota3A, %lt3A_15 : vector<16xi32>
    %add3A_17 = arith.constant 8 : i32
    %add3A_18 = arith.addi %mul3A_2, %add3A_17 : i32
    %get3A_19 = arith.index_cast %add3A_18 : i32 to index
    %get3A_20 = tpu.vector_load %arg5[%get3A_19] {strides = array<i32>} : memref<280xi32, #tpu.memory_space<vmem>>, vector<16xi32>,
    %get3A_21 = arith.index_cast %mul3A_2 : i32 to index
    %get3A_22 = tpu.vector_load %arg5[%get3A_21] {strides = array<i32>} : memref<280xi32, #tpu.memory_space<vmem>>, vector<16xi32>,
    %add3A_23 = arith.constant 7 : i32
    %add3A_24 = vector.broadcast %add3A_23 : i32 to vector<16xi32>
    %add3A_25 = arith.addi %iota3A, %add3A_24 : vector<16xi32>
    %min3A = arith.constant 15 : i32
    %min3A_26 = vector.broadcast %min3A : i32 to vector<16xi32>
    %min3A_27 = arith.minsi %add3A_25, %min3A_26 : vector<16xi32>
    %broadcast_in_dim3A_28 = vector.shape_cast %min3A_27 : vector<16xi32> to vector<16x1xi32>
    %gather3A = vector.shape_cast %broadcast_in_dim3A_28 : vector<16x1xi32> to vector<16xi32>
    %gather3A_29 = tpu.dynamic_gather %get3A_22[%gather3A] in [0] : vector<16xi32>, vector<16xi32> -> vector<16xi32>
    %add3A_30 = arith.constant 1 : i32
    %add3A_31 = vector.broadcast %add3A_30 : i32 to vector<16xi32>
    %add3A_32 = arith.addi %iota3A, %add3A_31 : vector<16xi32>
    %min3A_33 = arith.constant 15 : i32
    %min3A_34 = vector.broadcast %min3A_33 : i32 to vector<16xi32>
    %min3A_35 = arith.minsi %add3A_32, %min3A_34 : vector<16xi32>
    %broadcast_in_dim3A_36 = vector.shape_cast %min3A_35 : vector<16xi32> to vector<16x1xi32>
    %gather3A_37 = vector.shape_cast %broadcast_in_dim3A_36 : vector<16x1xi32> to vector<16xi32>
    %gather3A_38 = tpu.dynamic_gather %get3A_20[%gather3A_37] in [0] : vector<16xi32>, vector<16xi32> -> vector<16xi32>
    %mul3A_39 = arith.constant 4096 : i32
    %mul3A_40 = vector.broadcast %mul3A_39 : i32 to vector<16xi32>
    %mul3A_41 = arith.muli %iota3A, %mul3A_40 : vector<16xi32>
    %add3A_42 = arith.addi %mul3A_41, %gather3A_29 : vector<16xi32>
    %mul3A_43 = arith.constant 4096 : i32
    %mul3A_44 = vector.broadcast %mul3A_43 : i32 to vector<16xi32>
    %mul3A_45 = arith.muli %iota3A, %mul3A_44 : vector<16xi32>
    %add3A_46 = arith.addi %mul3A_45, %get3A_20 : vector<16xi32>
    %mul3A_47 = arith.constant 4096 : i32
    %mul3A_48 = vector.broadcast %mul3A_47 : i32 to vector<16xi32>
    %mul3A_49 = arith.muli %iota3A, %mul3A_48 : vector<16xi32>
    %add3A_50 = arith.addi %mul3A_49, %gather3A_38 : vector<16xi32>
    %broadcast_in_dim3A_51 = arith.constant 0.450024426 : f32
    %broadcast_in_dim3A_52 = vector.broadcast %broadcast_in_dim3A_51 : f32 to vector<16xf32>
    tpu.vector_store_idx %arg6[%add3A_46], %broadcast_in_dim3A_52 masked %lt3A_16 : memref<32768xf32, #tpu.memory_space<vmem>>[vector<16xi32>], vector<16xf32>, vector<16xi1>
    tpu.vector_store_idx %arg6[%add3A_50], %broadcast_in_dim3A_52 masked %lt3A_16 : memref<32768xf32, #tpu.memory_space<vmem>>[vector<16xi32>], vector<16xf32>, vector<16xi1>
    %mul3A_53 = arith.constant 4096 : i32
    %mul3A_54 = arith.muli %mul3A_2, %mul3A_53 : i32
    "tpu.region"() ({
      %run_scoped3A = tpu.sem_alloc : memref<!tpu.dma_semaphore, #tpu.memory_space<semaphore_mem>>
      %dma_start3A = tpu.memref_slice %arg3[%mul3A_54] : memref<1048576xf32, #tpu.memory_space<hbm>> -> memref<32768xf32, #tpu.memory_space<hbm>>
      %dma_start3A_63 = tpu.memref_slice %arg3[%mul3A_54] : memref<1048576xf32, #tpu.memory_space<hbm>> -> memref<32768xf32, #tpu.memory_space<hbm>>
      tpu.enqueue_dma source(%arg6 : memref<32768xf32, #tpu.memory_space<vmem>>) target(%dma_start3A_63 : memref<32768xf32, #tpu.memory_space<hbm>>) target_semaphore(%run_scoped3A : memref<!tpu.dma_semaphore, #tpu.memory_space<semaphore_mem>>)
      %dma_wait3A = tpu.memref_slice %arg3[%mul3A_54] : memref<1048576xf32, #tpu.memory_space<hbm>> -> memref<32768xf32, #tpu.memory_space<hbm>>
      %dma_wait3A_64 = tpu.memref_slice %arg3[%mul3A_54] : memref<1048576xf32, #tpu.memory_space<hbm>> -> memref<32768xf32, #tpu.memory_space<hbm>>
      tpu.wait_dma2 semaphore(%run_scoped3A : memref<!tpu.dma_semaphore, #tpu.memory_space<semaphore_mem>>) src(%arg6 : memref<32768xf32, #tpu.memory_space<vmem>>) dst(%dma_wait3A_64 : memref<32768xf32, #tpu.memory_space<hbm>>)
      tpu.yield
    }) : () -> ()
    %broadcast_in_dim3A_55 = arith.constant 0.225024417 : f32
    %broadcast_in_dim3A_56 = vector.broadcast %broadcast_in_dim3A_55 : f32 to vector<16xf32>
    tpu.vector_store_idx %arg6[%add3A_42], %broadcast_in_dim3A_56 masked %lt3A_16 : memref<32768xf32, #tpu.memory_space<vmem>>[vector<16xi32>], vector<16xf32>, vector<16xi1>
    %broadcast_in_dim3A_57 = arith.constant 0.450024426 : f32
    %broadcast_in_dim3A_58 = vector.broadcast %broadcast_in_dim3A_57 : f32 to vector<16xf32>
    tpu.vector_store_idx %arg6[%add3A_46], %broadcast_in_dim3A_58 masked %lt3A_16 : memref<32768xf32, #tpu.memory_space<vmem>>[vector<16xi32>], vector<16xf32>, vector<16xi1>
    %broadcast_in_dim3A_59 = arith.constant 0.225024417 : f32
    %broadcast_in_dim3A_60 = vector.broadcast %broadcast_in_dim3A_59 : f32 to vector<16xf32>
    tpu.vector_store_idx %arg6[%add3A_50], %broadcast_in_dim3A_60 masked %lt3A_16 : memref<32768xf32, #tpu.memory_space<vmem>>[vector<16xi32>], vector<16xf32>, vector<16xi1>
    %mul3A_61 = arith.constant 4096 : i32
    %mul3A_62 = arith.muli %mul3A_2, %mul3A_61 : i32
    "tpu.region"() ({
      %run_scoped3A = tpu.sem_alloc : memref<!tpu.dma_semaphore, #tpu.memory_space<semaphore_mem>>
      %dma_start3A = tpu.memref_slice %arg4[%mul3A_62] : memref<1048576xf32, #tpu.memory_space<hbm>> -> memref<32768xf32, #tpu.memory_space<hbm>>
      %dma_start3A_63 = tpu.memref_slice %arg4[%mul3A_62] : memref<1048576xf32, #tpu.memory_space<hbm>> -> memref<32768xf32, #tpu.memory_space<hbm>>
      tpu.enqueue_dma source(%arg6 : memref<32768xf32, #tpu.memory_space<vmem>>) target(%dma_start3A_63 : memref<32768xf32, #tpu.memory_space<hbm>>) target_semaphore(%run_scoped3A : memref<!tpu.dma_semaphore, #tpu.memory_space<semaphore_mem>>)
      %dma_wait3A = tpu.memref_slice %arg4[%mul3A_62] : memref<1048576xf32, #tpu.memory_space<hbm>> -> memref<32768xf32, #tpu.memory_space<hbm>>
      %dma_wait3A_64 = tpu.memref_slice %arg4[%mul3A_62] : memref<1048576xf32, #tpu.memory_space<hbm>> -> memref<32768xf32, #tpu.memory_space<hbm>>
      tpu.wait_dma2 semaphore(%run_scoped3A : memref<!tpu.dma_semaphore, #tpu.memory_space<semaphore_mem>>) src(%arg6 : memref<32768xf32, #tpu.memory_space<vmem>>) dst(%dma_wait3A_64 : memref<32768xf32, #tpu.memory_space<hbm>>)
      tpu.yield
    }) : () -> ()
    return
  }
}

module attributes {stable_mosaic.version = 14 : i64} {
  func.func @_mix_body(%arg0: i32, %arg1: memref<16x1176x128xf32, #tpu.memory_space<vmem>>, %arg2: memref<1x1176x128xf32, #tpu.memory_space<vmem>>, %arg3: memref<1x1176x128xf32, #tpu.memory_space<vmem>>, %arg4: memref<16x1176x128xf32, #tpu.memory_space<vmem>>) attributes {dimension_semantics = [#tpu.dimension_semantics<arbitrary>], iteration_bounds = array<i64: 16>, scalar_prefetch = 0 : i64, scratch_operands = 0 : i64, tpu.core_type = #tpu.core_type<tc>, window_params = [{transform_indices = @transform_0, window_bounds = array<i64: 16, 1176, 128>}, {transform_indices = @transform_1, window_bounds = array<i64: 1, 1176, 128>}, {pipeline_mode = #tpu.pipeline_mode<synchronous>, transform_indices = @transform_2, window_bounds = array<i64: 1, 1176, 128>}, {transform_indices = @transform_3, window_bounds = array<i64: 16, 1176, 128>}]} {
    %get3A = arith.constant 0 : index
    %get3A_0 = arith.constant 0 : index
    %get3A_1 = arith.constant 0 : index
    %get3A_2 = vector.load %arg3[%get3A, %get3A_0, %get3A_1] : memref<1x1176x128xf32, #tpu.memory_space<vmem>>, vector<1x1176x128xf32>
    %ne3A = arith.constant 0.000000e+00 : f32
    %ne3A_3 = vector.broadcast %ne3A : f32 to vector<1x1176x128xf32>
    %ne3A_4 = arith.cmpf one, %get3A_2, %ne3A_3 : vector<1x1176x128xf32>
    %get3A_5 = arith.constant 1 : index
    %get3A_6 = arith.constant 0 : index
    %get3A_7 = arith.constant 0 : index
    %get3A_8 = vector.load %arg1[%get3A_5, %get3A_6, %get3A_7] : memref<16x1176x128xf32, #tpu.memory_space<vmem>>, vector<15x1176x128xf32>
    %get3A_9 = arith.constant 0 : index
    %get3A_10 = arith.constant 0 : index
    %get3A_11 = arith.constant 0 : index
    %get3A_12 = vector.load %arg1[%get3A_9, %get3A_10, %get3A_11] : memref<16x1176x128xf32, #tpu.memory_space<vmem>>, vector<15x1176x128xf32>
    %broadcast_in_dim3A = vector.shape_cast %ne3A_4 : vector<1x1176x128xi1> to vector<1x1176x128xi1>
    %broadcast_in_dim3A_13 = vector.broadcast %broadcast_in_dim3A : vector<1x1176x128xi1> to vector<15x1176x128xi1>
    %select_n3A = arith.select %broadcast_in_dim3A_13, %get3A_8, %get3A_12 : vector<15x1176x128xi1>, vector<15x1176x128xf32>
    %swap3A = arith.constant 0 : index
    %swap3A_14 = arith.constant 0 : index
    %swap3A_15 = arith.constant 0 : index
    %swap3A_16 = vector.load %arg4[%swap3A, %swap3A_14, %swap3A_15] : memref<16x1176x128xf32, #tpu.memory_space<vmem>>, vector<15x1176x128xf32>
    tpu.vector_store %arg4[%swap3A, %swap3A_14, %swap3A_15], %select_n3A {strides = array<i32>} : memref<16x1176x128xf32, #tpu.memory_space<vmem>>, vector<15x1176x128xf32>,
    %get3A_17 = arith.constant 0 : index
    %get3A_18 = arith.constant 0 : index
    %get3A_19 = arith.constant 0 : index
    %get3A_20 = vector.load %arg2[%get3A_17, %get3A_18, %get3A_19] : memref<1x1176x128xf32, #tpu.memory_space<vmem>>, vector<1x1176x128xf32>
    %get3A_21 = arith.constant 15 : index
    %get3A_22 = arith.constant 0 : index
    %get3A_23 = arith.constant 0 : index
    %get3A_24 = vector.load %arg1[%get3A_21, %get3A_22, %get3A_23] : memref<16x1176x128xf32, #tpu.memory_space<vmem>>, vector<1x1176x128xf32>
    %select_n3A_25 = arith.select %ne3A_4, %get3A_20, %get3A_24 : vector<1x1176x128xi1>, vector<1x1176x128xf32>
    %swap3A_26 = arith.constant 15 : index
    %swap3A_27 = arith.constant 0 : index
    %swap3A_28 = arith.constant 0 : index
    %swap3A_29 = vector.load %arg4[%swap3A_26, %swap3A_27, %swap3A_28] : memref<16x1176x128xf32, #tpu.memory_space<vmem>>, vector<1x1176x128xf32>
    tpu.vector_store %arg4[%swap3A_26, %swap3A_27, %swap3A_28], %select_n3A_25 {strides = array<i32>} : memref<16x1176x128xf32, #tpu.memory_space<vmem>>, vector<1x1176x128xf32>,
    return
  }
  func.func @transform_0(%arg0: i32) -> (i32, i32, i32) {
    %c0_i32 = arith.constant 0 : i32
    %c0_i32_0 = arith.constant 0 : i32
    %c0_i32_1 = arith.constant 0 : i32
    return %arg0, %c0_i32, %c0_i32_0 : i32, i32, i32
  }
  func.func @transform_1(%arg0: i32) -> (i32, i32, i32) {
    %add3A = arith.constant 1 : i32
    %add3A_0 = arith.addi %arg0, %add3A : i32
    %mul3A = arith.constant 16 : i32
    %mul3A_1 = arith.muli %add3A_0, %mul3A : i32
    %jit3A = arith.constant 256 : i32
    %eq3A = arith.constant 0 : i32
    %eq3A_2 = arith.cmpi eq, %jit3A, %eq3A : i32
    %jit3A_3 = arith.constant 1 : i32
    %select_n3A = arith.select %eq3A_2, %jit3A_3, %jit3A : i32
    %rem3A = arith.remsi %mul3A_1, %select_n3A : i32
    %ne3A = arith.constant 0 : i32
    %ne3A_4 = arith.cmpi ne, %rem3A, %ne3A : i32
    %lt3A = arith.constant 0 : i32
    %lt3A_5 = arith.cmpi slt, %rem3A, %lt3A : i32
    %lt3A_6 = arith.constant 0 : i32
    %lt3A_7 = arith.cmpi slt, %select_n3A, %lt3A_6 : i32
    %ne3A_8 = arith.xori %lt3A_5, %lt3A_7 : i1
    %and3A = arith.andi %ne3A_8, %ne3A_4 : i1
    %add3A_9 = arith.addi %rem3A, %select_n3A : i32
    %select_n3A_10 = arith.select %and3A, %add3A_9, %rem3A : i32
    %c0_i32 = arith.constant 0 : i32
    %c0_i32_11 = arith.constant 0 : i32
    %c0_i32_12 = arith.constant 0 : i32
    return %select_n3A_10, %c0_i32, %c0_i32_11 : i32, i32, i32
  }
  func.func @transform_2(%arg0: i32) -> (i32, i32, i32) {
    %c0_i32 = arith.constant 0 : i32
    %c0_i32_0 = arith.constant 0 : i32
    %c0_i32_1 = arith.constant 0 : i32
    %c0_i32_2 = arith.constant 0 : i32
    return %c0_i32, %c0_i32_0, %c0_i32_1 : i32, i32, i32
  }
  func.func @transform_3(%arg0: i32) -> (i32, i32, i32) {
    %c0_i32 = arith.constant 0 : i32
    %c0_i32_0 = arith.constant 0 : i32
    %c0_i32_1 = arith.constant 0 : i32
    return %arg0, %c0_i32, %c0_i32_0 : i32, i32, i32
  }
}

</mosaic_0001>

<sc_bundles>
// kernel: kernel.4.cloned.1.call-start
scs
__scs_entry_jumppad:
0x0: {  	(pc) =	sbr.rel $0x88, $3  }
0x1: {  	(tag) =	ssettag $0x0;
	lr =	simm.s32 $0x1  }
0x2: {  	[smem:$0x3F9F] =	sst lr;
	_ =	strace $0xD0000000  }
0x3: {  	_ = 	snop  }
0x4: {  	_ = 	snop  }
0x5: {  	_ = 	snop  }
0x6: {  	_ = 	snop  }
0x7: {  	_ = 	snop  }
__scs_overlays_trampoline_lowered:
0x8: {  	[smem:$0x3FAE] =	sst s0  }
0x9: {  	[smem:$0x3FAF] =	sst s1  }
0xa: {  	[smem:$0x3FB0] =	sst s2  }
0xb: {  	[smem:$0x3FB1] =	sst s3  }
0xc: {  	[smem:$0x3FB2] =	sst s4  }
0xd: {  	[smem:$0x3FB3] =	sst s5  }
0xe: {  	[smem:$0x3FB4] =	sst s6  }
0xf: {  	[smem:$0x3FB5] =	sst s7  }
0x10: {  	[smem:$0x3FB6] =	sst s8  }
0x11: {  	[smem:$0x3FB7] =	sst s9;
	s0 =	simm.s32 @!p0 $0x0  }
0x12: {  	s1 =	sld [smem:$0x3F9D];
	s0 =	simm.s32 @p0 $0x1  }
0x13: {  	[smem:$0x3FB8] =	sst s0;
	s0 =	simm.s32 @!p1 $0x0  }
0x14: {  	s2 =	sld [smem:$0x3F9C];
	s0 =	simm.s32 @p1 $0x1  }
0x15: {  	[smem:$0x3FB9] =	sst s0;
	s0 =	simm.s32 @!p2 $0x0  }
0x16: {  	s3 =	sld [smem:$0x3FDB];
	s0 =	simm.s32 @p2 $0x1  }
0x17: {  	s4 =	simm.s32 $0x1BF5;
	[smem:$0x3FBB] =	sst s0  }
0x18: {  	s0 =	sld [smem:$0x3F9E];
	_ =	swait.ge [sflag:s4], $0x0  }
0x19: {  	s7 =	sld [smem:$0x3F9F]  }
0x1a: {  	s8 =	sadd.s32 $0xFFFFE003, lr  }
0x1b: {  	s9 =	sadd.s32 $0xFFFFFEF7, lr;
	s5 =	simm.s32 $0xFFFFFFFF;
	p2 =	slt.u32 s8, $0xFFFFF086  }
0x1c: {  	p1 =	slt.u32 s9, $0xF7A;
	s5 =	simm.s32 @!p2 $0x0  }
0x1d: {  	s5 =	simm.s32 @p1 $0x1;
	p0 =	seq.s32 s7, s2  }
0x1e: {  	s7 =	smul.u32 @!p0 $0xF7A, s2;
	p2 =	seq.s32 @!p0 s5, $0x0  }
0x1f: {  	s9 =	smul.u32 $0xF7A, s1;
	s8 =	simm.s32 @!p0 $0x1BF5;
	p2 =	por !p2, p0  }
0x20: {  	[sflag:s8] =	ssyncset.s32 @!p0 $0xFFFFF086;
	s6 =	sadd.s32 @!p0 s3, s7;
	s7 =	simm.s32 @!p0 $0x108  }
0x21: {  	s3 =	sadd.s32 s3, s9;
	s6 =	sadd.s32 @!p0 $0x88, s6;
	s7 =	simm.s32 @p2 $0x1082  }
0x22: {  	[simem:s7], [sflag:s8] =	dma.local @!p0 [hbm:s6], $0xF7A  }
0x23: {  	s9 =	sor.u32 $0xD0000000, s2;
	s6 =	simm.s32 $0x108;
	_ =	swait.ge @!p0 [sflag:s8], $0x0  }
0x24: {  	s3 =	sadd.s32 $0x88, s3;
	s6 =	simm.s32 @!p1 $0x1082;
	[sflag:s4] =	ssyncset.s32 $0xFFFFF086  }
0x25: {  	[simem:s6], [sflag:s4] =	dma.local [hbm:s3], $0xF7A  }
0x26: {  	[smem:$0x3F9F] =	sst s1;
	(tag) =	ssettag s2;
	_ =	strace s9  }
0x27: {  	s1 =	sld [smem:$0x3FAF]  }
0x28: {  	s2 =	sld [smem:$0x3FB0]  }
0x29: {  	s4 =	sld [smem:$0x3FB2]  }
0x2a: {  	p0 =	seq.s32 s5, $0x0;
	s5 =	sld [smem:$0x3FB3]  }
0x2b: {  	s6 =	sld [smem:$0x3FB4]  }
0x2c: {  	s7 =	sld [smem:$0x3FB5]  }
0x2d: {  	s3 =	simm.s32 $0x108;
	s8 =	sld [smem:$0x3FB6]  }
0x2e: {  	s3 =	simm.s32 @!p0 $0x1082;
	s9 =	sld [smem:$0x3FB7]  }
0x2f: {  	lr =	sadd.s32 s0, s3;
	s0 =	sld [smem:$0x3FAE]  }
0x30: {  	s3 =	sld [smem:$0x3FB1]  }
0x31: {  	[smem:$0x3FBA] =	sst s10  }
0x32: {  	s10 =	sld [smem:$0x3FB8];
	_ =	sdelay $0x3  }
0x33: {  	p0 =	seq.s32 s10, $0x1;
	s10 =	sld [smem:$0x3FBA];
	_ =	sdelay $0x3  }
0x34: {  	[smem:$0x3FBA] =	sst s10  }
0x35: {  	s10 =	sld [smem:$0x3FB9];
	_ =	sdelay $0x3  }
0x36: {  	p1 =	seq.s32 s10, $0x1;
	s10 =	sld [smem:$0x3FBA];
	_ =	sdelay $0x3  }
0x37: {  	[smem:$0x3FBA] =	sst s10  }
0x38: {  	s10 =	sld [smem:$0x3FBB]  }
0x39: {  	_ = 	snop;
	(pc) =	sbr.ind lr, $3  }
0x3a: {  	_ = 	snop  }
0x3b: {  	_ = 	snop  }
0x3c: {  	p2 =	seq.s32 s10, $0x1;
	s10 =	sld [smem:$0x3FBA]  }
0x3d: {  	_ =	shalt  }
0x3e: {  	_ =	shalt  }
0x3f: {  	_ =	shalt  }
0x40: {  	_ =	shalt  }
0x41: {  	_ =	shalt  }
0x42: {  	_ =	shalt  }
0x43: {  	_ =	shalt  }
0x44: {  	_ =	shalt  }
0x45: {  	_ =	shalt  }
0x46: {  	_ =	shalt  }
0x47: {  	_ =	shalt  }
0x48: {  	_ =	shalt  }
0x49: {  	_ =	shalt  }
0x4a: {  	_ =	shalt  }
0x4b: {  	_ =	shalt  }
0x4c: {  	_ =	shalt  }
0x4d: {  	_ =	shalt  }
0x4e: {  	_ =	shalt  }
0x4f: {  	_ =	shalt  }
0x50: {  	_ =	shalt  }
0x51: {  	_ =	shalt  }
0x52: {  	_ =	shalt  }
0x53: {  	_ =	shalt  }
0x54: {  	_ =	shalt  }
0x55: {  	_ =	shalt  }
0x56: {  	_ =	shalt  }
0x57: {  	_ =	shalt  }
0x58: {  	_ =	shalt  }
0x59: {  	_ =	shalt  }
0x5a: {  	_ =	shalt  }
0x5b: {  	_ =	shalt  }
0x5c: {  	_ =	shalt  }
0x5d: {  	_ =	shalt  }
0x5e: {  	_ =	shalt  }
0x5f: {  	_ =	shalt  }
0x60: {  	_ =	shalt  }
0x61: {  	_ =	shalt  }
0x62: {  	_ =	shalt  }
0x63: {  	_ =	shalt  }
0x64: {  	_ =	shalt  }
0x65: {  	_ =	shalt  }
0x66: {  	_ =	shalt  }
0x67: {  	_ =	shalt  }
0x68: {  	_ =	shalt  }
0x69: {  	_ =	shalt  }
0x6a: {  	_ =	shalt  }
0x6b: {  	_ =	shalt  }
0x6c: {  	_ =	shalt  }
0x6d: {  	_ =	shalt  }
0x6e: {  	_ =	shalt  }
0x6f: {  	_ =	shalt  }
0x70: {  	_ =	shalt  }
0x71: {  	_ =	shalt  }
0x72: {  	_ =	shalt  }
0x73: {  	_ =	shalt  }
0x74: {  	_ =	shalt  }
0x75: {  	_ =	shalt  }
0x76: {  	_ =	shalt  }
0x77: {  	_ =	shalt  }
0x78: {  	_ =	shalt  }
0x79: {  	_ =	shalt  }
0x7a: {  	_ =	shalt  }
0x7b: {  	_ =	shalt  }
0x7c: {  	_ =	shalt  }
0x7d: {  	_ =	shalt  }
0x7e: {  	_ =	shalt  }
0x7f: {  	_ =	shalt  }
0x80: {  	_ =	shalt  }
0x81: {  	_ =	shalt  }
0x82: {  	_ =	shalt  }
0x83: {  	_ =	shalt  }
0x84: {  	_ =	shalt  }
0x85: {  	_ =	shalt  }
0x86: {  	_ =	shalt  }
0x87: {  	_ =	shalt  }
.Lfunc_end0:
.L_simem_size_0:
called_computation_lowered:
.L_overlay_start_0:
0x88: {  	s2 =	sld [smem:$0x3FD9]  }
0x89: {  	s3 =	sld [smem:$0x3FFE];
	_ =	sdelay $0x1  }
0x8a: {  	s1 =	srdreg.scid  }
0x8b: {  	s0 =	sand.u32 $0x1, s1  }
0x8c: {  	s14 =	sshll.u32 s0, $0xA;
	s2 =	sadd.s32 s3, s2  }
0x8d: {  	s2 =	sadd.s32 s2, s14  }
0x8e: {  	[smem:$0x3FC6] =	sst s2  }
0x8f: {  	_ = 	snop  }
0x90: {  	s2 =	sld [smem:$0x3FD0];
	_ =	sdelay $0x2  }
0x91: {  	s4 =	simm.s32 $0xA;
	s5 =	simm.s32 $0x10;
	s15 =	sld [smem:$0x3FC8]  }
0x92: {  	[smem:s5], [sflag:s4] =	dma.local [hbm:s2], $0x1  }
0x93: {  	_ =	swait.eq [sflag:s4], $0x1  }
0x94: {  	[sflag:s4] =	ssyncset.done $0x0  }
0x95: {  	[sflag:s4] =	ssyncadd.s32 $0xFFFFFFFF  }
0x96: {  	s16 =	sld [smem:$0x12];
	(tm) =	ssettm $0x1  }
0x97: {  	s17 =	sld [smem:$0x3FFB];
	_ =	sdelay $0x3  }
0x98: {  	_ =	strace s17  }
0x99: {  	s4 =	sld [smem:$0x3FFC];
	_ =	sdelay $0x3  }
0x9a: {  	_ =	strace s4  }
0x9b: {  	s4 =	sld [smem:$0x3FFD];
	_ =	sdelay $0x3  }
0x9c: {  	_ =	strace s4  }
0x9d: {  	_ =	strace $0x8FFFFFFF  }
0x9e: {  	s18 =	sld [smem:$0x3FDB];
	_ =	sdelay $0x1  }
0x9f: {  	s19 =	simm.s32 $_scs_section_size  }
0xa0: {  	s6 =	simm.s32 $_size__tile_overlayer_lowered;
	s7 =	simm.s32 $_tile_overlayer_lowered  }
0xa1: {  	s22 =	simm.s32 $0x1BFF;
	s21 =	sshll.u32 s7, $0x1;
	s4 =	sadd.s32 s19, s18  }
0xa2: {  	s8 =	simm.s32 $0x0;
	s20 =	sshll.u32 s6, $0x1;
	s6 =	sadd.s32 s21, s4  }
0xa3: {  	[timem:s8], [sflag:s22] =	dma.local [hbm:s6], s20  }
0xa4: {  	_ =	swait.ge [sflag:s22], s20  }
0xa5: {  	s5 =	ssub.s32 $0x0, s20;
	[sflag:s22] =	ssyncset.done $0x0  }
0xa6: {  	[sflag:s22] =	ssyncadd.s32 s5;
	_ =	sdelay $0x1  }
0xa7: {  	s23 =	simm.s32 $0x1B8B  }
0xa8: {  	_ =	swait.ge [sflag:s23], $0x1  }
0xa9: {  	[sflag:s23] =	ssyncset.done $0x0  }
0xaa: {  	s25 =	simm.s32 $0x1B8E;
	s24 =	sld [smem:$0x3FFE];
	[sflag:s23] =	ssyncadd.s32 $0xFFFFFFFF  }
0xab: {  	s26 =	simm.s32 $execute0_lowered;
	[smem:$0x3FD2] =	sst s25  }
0xac: {  	s6 =	sshll.u32 s26, $0x1;
	_ =	strace $0x80000046;
	[dreg:$0x1] =	wrdreg $0xFFFFFFFF  }
0xad: {  	s28 =	simm.s32 $_size_execute0_lowered;
	s4 =	sadd.s32 s4, s6;
	[dreg:$0x0] =	wrdreg $0x0  }
0xae: {  	s6 =	sshll.u32 s28, $0x1;
	[dreg:$0x2] =	wrdreg s4  }
0xaf: {  	[dreg:$0x3] =	wrdreg s6  }
0xb0: {  	[dreg:$0x4] =	wrdreg $0xC0  }
0xb1: {  	_ =	task [dreg:s8], $0x5FFFF  }
0xb2: {  	[dreg:$0x1] =	wrdreg $0xFFFFFFFF  }
0xb3: {  	[dreg:$0x0] =	wrdreg $0x60  }
0xb4: {  	[dreg:$0x2] =	wrdreg s15  }
0xb5: {  	[dreg:$0x3] =	wrdreg s16  }
0xb6: {  	[dreg:$0x4] =	wrdreg s24  }
0xb7: {  	[dreg:$0x5] =	wrdreg $0x9  }
0xb8: {  	_ =	task.clear_ibuf [dreg:s8], $0x6FFFF;
	_ =	strace $0x90000046  }
0xb9: {  	s29 =	simm.s32 $0x9;
	_ =	strace $0x80000048  }
0xba: {  	_ =	swait.ge [sflag:s29], $0x1  }
0xbb: {  	[sflag:s29] =	ssyncadd.s32 $0xFFFFFFFF  }
0xbc: {  	_ =	strace $0x90000048  }
0xbd: {  	_ =	sfence  }
0xbe: {  	s30 =	sld [smem:$0x0];
	_ =	sdelay $0x2  }
0xbf: {  	s31 =	sshll.u32 s1, $0xD;
	s1 =	sshrl.u32 s1, $0x2  }
0xc0: {  	s3 =	sand.u32 $0x4000, s31;
	s1 =	sadd.s32 s1, s30  }
0xc1: {  	s0 =	sor.u32 s3, s0;
	s1 =	sshll.u32 s1, $0x11  }
0xc2: {  	s0 =	sor.u32 s1, s0  }
0xc3: {  	s0 =	sadd.s32 $0x8F2B, s0  }
0xc4: {  	[sflag:s0] =	ssyncadd.remote.s32 $0x1  }
0xc5: {  	_ =	sfence.sel $0xFFFF  }
0xc6: {  	[dreg:$0x0] =	wrdreg $0xFFFFFFFF;
	(pc) =	sbr.abs _section_cstart, $3  }
0xc7: {  	[dreg:$0x1] =	wrdreg $0xFFFFFFFF  }
0xc8: {  	_ =	task.clear_ibuf [dreg:s8], $0x2FFFF;
	_ =	strace $0x9FFFFFFF  }
0xc9: {  	(tm) =	ssettm $0x7FFFFFFF  }
tec
execute0_lowered:
.L_overlay_start_1:
0x0: {  	(tag) =	ssettag $0x1  }
0x1: {  	s1 =	rddreg [dreg:$0x0]  }
0x2: {  	s5 =	rddreg [dreg:$0x1]  }
0x3: {  	s2 =	srdreg.scid;
	s0 =	stileid.u32  }
0x4: {  	s4 =	rddreg [dreg:$0x2];
	v0 =	vimm.s32 $0xEDCBA987;
	s3 =	simm.s32 $0x0;
	s11 =	simm.s32 $0x0  }
0x5: {  	v1 =	vimm.s32 $0xFFEDCBA9;
	v2 =	vimm.s32 $0x87654321;
	s6 =	sand.u32 $0x1, s2;
	s7 =	sshll.u32 s0, $0x1;
	s2 =	rddreg [dreg:$0x3];
	v0 =	vunpack.c.l.s4.s8 v0  }
0x6: {  	v1 =	vunpack.c.l.s4.s8 v1;
	v2 =	vunpack.c.l.s4.s8 v2;
	[smem:$0x7FF] =	sst s3;
	s7 =	sor.u32 s6, s7;
	s6 =	ssub.s32 $0x2, s6  }
0x7: {  	vm0 =	vcmask $0x1F00;
	_ =	strace $0x80000047;
	s8 =	sshll.u32 s7, $0xC;
	s31 =	sshrl.u32 s6, $0x1;
	v3 =	vunpack.c.0.s8.s32 v0  }
0x8: {  	v6 =	vimm.f32 $2.250244170e-01;
	v4 =	vunpack.c.0.s8.s32 v1;
	v5 =	vunpack.c.0.s8.s32 v2;
	s9 =	sadd.s32 s8, s4;
	s10 =	ssub.s32 s6, s31;
	s4 =	sshll.u32 s7, $0x3  }
0x9: {  	v0 =	vlaneseq.u32;
	v1 =	vimm.f32 $2.441406290e-05;
	s5 =	sadd.s32 s5, s8;
	s8 =	simm.s32 $0x8;
	s6 =	sadd.s32 $0x800, s9;
	v2 =	vnsel vm0, $0xF, v3  }
0xa: {  	s7 =	smax.u32 s10, $0x1;
	v3 =	vcombine.low v5, v4;
	s9 =	simm.s32 $0x1;
	v4 =	vmul.u32 $0x1000, v0;
	v5 =	vimm.f32 $4.500244260e-01;
	s10 =	simm.s32 $0x180  }
.LBB2_1:
0xb: {  	[tilespmem:s8], [sflag:$0x1] =	stream.linear.gather [hbm4b:s1+s3], $0x100, $0x38;
	[tilespmem:$0x8180] =	vst v63  }
0xc: {  	_ =	swait.ge [sflag:s9], $0x100  }
0xd: {  	[sflag:s9] =	ssyncset.done $0x0  }
0xe: {  	[sflag:s9] =	ssyncadd.s32 $0xFFFFFF00  }
0xf: {  	v7 =	vld [tilespmem:$0x8];
	_ =	sdelay $0x4  }
0x10: {  	[tilespmem:$0x108] =	vst v7  }
0x11: {  	v7 =	vld [tilespmem:$0x100];
	_ =	sdelay $0x4  }
0x12: {  	s12 =	simm.s32 $0x0;
	s13 =	simm.s32 $0x400;
	[tilespmem:v0+s3+$0x0] =	vst.idx.msk $0xff, v7  }
.LBB2_2:
0x13: {  	p0 =	sne.s32 s13, $0x1FC00;
	[tilespmem:s12+$0x270] =	vst v1  }
0x14: {  	[tilespmem:s12+$0x180] =	vst v1  }
0x15: {  	[tilespmem:s12+$0x190] =	vst v1  }
0x16: {  	[tilespmem:s12+$0x1A0] =	vst v1  }
0x17: {  	[tilespmem:s12+$0x1B0] =	vst v1  }
0x18: {  	[tilespmem:s12+$0x1C0] =	vst v1  }
0x19: {  	[tilespmem:s12+$0x1D0] =	vst v1  }
0x1a: {  	[tilespmem:s12+$0x1E0] =	vst v1  }
0x1b: {  	[tilespmem:s12+$0x1F0] =	vst v1  }
0x1c: {  	[tilespmem:s12+$0x200] =	vst v1  }
0x1d: {  	[tilespmem:s12+$0x210] =	vst v1  }
.Ltmp0:
0x1e: {  	[tilespmem:s12+$0x220] =	vst v1;
	(pc) =	sbr.rel @p0 .LBB2_2-.Ltmp0, $4  }
0x1f: {  	[tilespmem:s12+$0x230] =	vst v1  }
0x20: {  	[tilespmem:s12+$0x240] =	vst v1  }
0x21: {  	[tilespmem:s12+$0x250] =	vst v1  }
0x22: {  	[tilespmem:s12+$0x260] =	vst v1;
	s12 =	sshra.s32 s13, $0x2;
	s13 =	sadd.s32 $0x400, s13  }
0x23: {  	[tilespmem:s12+$0x270] =	vst v1  }
0x24: {  	[tilespmem:s12+$0x180] =	vst v1  }
0x25: {  	[tilespmem:s12+$0x190] =	vst v1  }
0x26: {  	[tilespmem:s12+$0x1A0] =	vst v1  }
0x27: {  	[tilespmem:s12+$0x1B0] =	vst v1  }
0x28: {  	[tilespmem:s12+$0x1C0] =	vst v1  }
0x29: {  	[tilespmem:s12+$0x1D0] =	vst v1  }
0x2a: {  	[tilespmem:s12+$0x1E0] =	vst v1  }
0x2b: {  	[tilespmem:s12+$0x1F0] =	vst v1  }
0x2c: {  	[tilespmem:s12+$0x200] =	vst v1  }
0x2d: {  	[tilespmem:s12+$0x210] =	vst v1  }
0x2e: {  	[tilespmem:s12+$0x220] =	vst v1  }
0x2f: {  	[tilespmem:s12+$0x230] =	vst v1  }
0x30: {  	[tilespmem:s12+$0x240] =	vst v1  }
0x31: {  	[tilespmem:s12+$0x250] =	vst v1  }
0x32: {  	[tilespmem:s12+$0x260] =	vst v1  }
0x33: {  	v7 =	vld [tilespmem:s4+$0x8];
	_ =	sdelay $0x4  }
0x34: {  	v8 =	vld [tilespmem:s4+$0x0];
	v9 =	vperm.xlane v7, v3  }
0x35: {  	v7 =	vadd.s32 v4, v7  }
0x36: {  	v9 =	vadd.s32 v4, v9;
	_ =	sdelay $0x2  }
0x37: {  	v8 =	vperm.xlane v8, v2  }
0x38: {  	[tilespmem:v7+s10+$0x0] =	vst.idx.msk $0xff, v5  }
0x39: {  	v8 =	vadd.s32 v4, v8;
	[tilespmem:v9+s10+$0x0] =	vst.idx.msk $0xff, v5  }
0x3a: {  	[hbm4b:s5+s3] =	stream.linear.scatter [tilespmem:s10], [sflag:$0x1], $0x8000, $0x38;
	[tilespmem:$0x8180] =	vst v63  }
0x3b: {  	_ =	swait.ge [sflag:s9], $0x8000  }
0x3c: {  	[sflag:s9] =	ssyncset.done $0x0  }
0x3d: {  	[sflag:s9] =	ssyncadd.s32 $0xFFFF8000  }
0x3e: {  	s11 =	sadd.s32 $0x1, s11;
	[tilespmem:v8+s10+$0x0] =	vst.idx.msk $0xff, v6  }
0x3f: {  	p0 =	sne.s32 s11, s7;
	[tilespmem:v7+s10+$0x0] =	vst.idx.msk $0xff, v5  }
.Ltmp1:
0x40: {  	[tilespmem:v9+s10+$0x0] =	vst.idx.msk $0xff, v6;
	(pc) =	sbr.rel @p0 .LBB2_1-.Ltmp1, $4  }
0x41: {  	[hbm4b:s6+s3] =	stream.linear.scatter [tilespmem:s10], [sflag:$0x1], $0x8000, $0x38;
	[tilespmem:$0x8180] =	vst v63  }
0x42: {  	_ =	swait.ge [sflag:s9], $0x8000  }
0x43: {  	[sflag:s9] =	ssyncset.done $0x0  }
0x44: {  	[sflag:s9] =	ssyncadd.s32 $0xFFFF8000  }
0x45: {  	_ =	sfence.sel $0x180000  }
0x46: {  	[bflag:$0x0] =	sbarrier.arrive $0xFFFF  }
0x47: {  	p0 =	sne.s32 s0, $0x0;
	_ =	strace $0x90000047  }
0x48: {  	s0 =	sadd.s32 @!p0 $0x100000, s2;
	[bflag:$0x2] =	sbarrier.arrive $0xFFFF  }
0x49: {  	[sflag:s0] =	ssyncadd.tile.s32 @!p0 $0x1;
	_ =	shalt  }
.Lfunc_end2:
_tile_overlayer_lowered:
.L_overlay_start_2:
0x4a: {  	(tag) =	ssettag $0x2  }
0x4b: {  	s0 =	rddreg [dreg:$0x0];
	s2 =	stileid.u32  }
0x4c: {  	s1 =	rddreg [dreg:$0x1];
	p0 =	sne.s32 s2, $0x0  }
0x4d: {  	s3 =	rddreg [dreg:$0x2];
	[bflag:$0x3] =	sbarrier.arrive $0xFFFF;
	s2 =	simm.s32 @!p0 $0x1C01  }
0x4e: {  	[timem:s3], [sflag:s2] =	dma.local @!p0 [hbm:s0], s1  }
0x4f: {  	s0 =	simm.s32 @!p0 $0x1  }
0x50: {  	_ =	swait.ge @!p0 [sflag:s0], s1  }
0x51: {  	s1 =	ssub.s32 @!p0 $0x0, s1;
	[sflag:s0] =	ssyncset.done @!p0 $0x0  }
0x52: {  	[sflag:s0] =	ssyncadd.s32 @!p0 s1  }
0x53: {  	[bflag:$0x3] =	sbarrier.arrive $0xFFFF  }
0x54: {  	_ =	shalt  }

</sc_bundles>
